<compile_context>
chip_gen: v7x
topology: tpu7x:2x2x1
jax: 0.10.2.dev20260603
libtpu: 0.0.44.dev20260713+nightly
codegen_flags: <defaults>
</compile_context>

<pallas_src>
import jax
import jax.numpy as jnp
from jax.experimental import pallas as pl

B, C, H, W = 128, 96, 32, 32
HW = H * W
BB = 16


def _tc_kernel(x_ref, row_ref, col_ref, out_ref):
    row = row_ref[:]
    col = col_ref[:]
    pos = (row[:, None, :] + col[None, :, :]).reshape(HW, C)
    for i in range(BB):
        out_ref[i] = jnp.full((HW * C // 128, 128), x_ref[i][0, 0]) + pos[0, 0]


def kernel(x, row_embed, col_embed):
    x3 = x.reshape(B, C, HW)
    out = pl.pallas_call(
        _tc_kernel,
        grid=(B // BB,),
        in_specs=[
            pl.BlockSpec((BB, C, HW), lambda b: (b, 0, 0)),
            pl.BlockSpec((H, C), lambda b: (0, 0)),
            pl.BlockSpec((W, C), lambda b: (0, 0)),
        ],
        out_specs=pl.BlockSpec((BB, HW * C // 128, 128), lambda b: (b, 0, 0)),
        out_shape=jax.ShapeDtypeStruct((B, HW * C // 128, 128), jnp.float32),
    )(x3, row_embed, col_embed)
    return out.reshape(B, HW, C)

# --- scband reference (transcript-rebuilt; emitter-appended) ---
"""Pipeline reference for scband-position-embedding-learned-47768626266375 (READ-ONLY COPY).

The authoritative reference and input builder live on the scoring server;
editing this copy changes nothing except your own understanding.
"""

import jax, jax.numpy as jnp
import numpy as np

N_ROW = 32
N_COL = 32
FEATS_DIM = 96
B, C, H, W = 128, 96, 32, 32


def setup_inputs(seed: int = 0) -> dict:
    key = jax.random.key(seed)
    k1, k2, k3 = jax.random.split(key, 3)
    x = jax.random.normal(k1, (B, C, H, W), dtype=jnp.float32)
    # nn.init.uniform_ -> U[0, 1)
    row_embed = jax.random.uniform(k2, (N_ROW, FEATS_DIM), dtype=jnp.float32)
    col_embed = jax.random.uniform(k3, (N_COL, FEATS_DIM), dtype=jnp.float32)
    return {"x": x, "row_embed": row_embed, "col_embed": col_embed}


def reference(x, row_embed, col_embed):
    h, w = x.shape[-2], x.shape[-1]
    i = jnp.arange(w)
    j = jnp.arange(h)
    # embedding lookup (gather)
    x_emb = jnp.take(col_embed, i, axis=0)  # [w, d]
    y_emb = jnp.take(row_embed, j, axis=0)  # [h, d]
    x_emb = jnp.broadcast_to(x_emb[None, :, :], (h, w, x_emb.shape[-1]))  # [h, w, d]
    y_emb = jnp.broadcast_to(y_emb[:, None, :], (h, w, y_emb.shape[-1]))  # [h, w, d]
    pos = (x_emb + y_emb).transpose(2, 0, 1)  # [d, h, w]
    pos = jnp.broadcast_to(pos[None, :, :, :], x.shape)  # [B, C, H, W]
    out = x + pos
    # rearrange 'B C H W -> B (H W) C'
    out = out.transpose(0, 2, 3, 1).reshape(x.shape[0], h * w, x.shape[1])
    # dropout p=0.0 -> identity
    return out

if __name__ == "__main__":
    import jax
    _d = setup_inputs()
    print(jax.jit(kernel)(*tuple(_d.values())))

</pallas_src>

<mosaic_0001>
module attributes {stable_mosaic.version = 14 : i64} {
  func.func @_tc_kernel(%arg0: i32, %arg1: memref<16x96x1024xf32, #tpu.memory_space<vmem>>, %arg2: memref<32x96xf32, #tpu.memory_space<vmem>>, %arg3: memref<32x96xf32, #tpu.memory_space<vmem>>, %arg4: memref<16x768x128xf32, #tpu.memory_space<vmem>>) attributes {dimension_semantics = [#tpu.dimension_semantics<arbitrary>], iteration_bounds = array<i64: 8>, scalar_prefetch = 0 : i64, scratch_operands = 0 : i64, tpu.core_type = #tpu.core_type<tc>, window_params = [{transform_indices = @transform_0, window_bounds = array<i64: 16, 96, 1024>}, {pipeline_mode = #tpu.pipeline_mode<synchronous>, transform_indices = @transform_1, window_bounds = array<i64: 32, 96>}, {pipeline_mode = #tpu.pipeline_mode<synchronous>, transform_indices = @transform_2, window_bounds = array<i64: 32, 96>}, {transform_indices = @transform_3, window_bounds = array<i64: 16, 768, 128>}]} {
    %get3A = arith.constant 0 : index
    %get3A_0 = arith.constant 0 : index
    %get3A_1 = vector.load %arg2[%get3A, %get3A_0] : memref<32x96xf32, #tpu.memory_space<vmem>>, vector<32x96xf32>
    %get3A_2 = arith.constant 0 : index
    %get3A_3 = arith.constant 0 : index
    %get3A_4 = vector.load %arg3[%get3A_2, %get3A_3] : memref<32x96xf32, #tpu.memory_space<vmem>>, vector<32x96xf32>
    %broadcast_in_dim3A = vector.shape_cast %get3A_1 : vector<32x96xf32> to vector<32x1x96xf32>
    %broadcast_in_dim3A_5 = vector.shape_cast %get3A_4 : vector<32x96xf32> to vector<1x32x96xf32>
    %add3A = vector.broadcast %broadcast_in_dim3A : vector<32x1x96xf32> to vector<32x32x96xf32>
    %add3A_6 = vector.broadcast %broadcast_in_dim3A_5 : vector<1x32x96xf32> to vector<32x32x96xf32>
    %add3A_7 = arith.addf %add3A, %add3A_6 : vector<32x32x96xf32>
    %reshape3A = vector.shape_cast %add3A_7 : vector<32x32x96xf32> to vector<1024x96xf32>
    %get3A_8 = arith.constant 0 : index
    %get3A_9 = arith.constant 0 : index
    %get3A_10 = arith.constant 0 : index
    %get3A_11 = vector.load %arg1[%get3A_8, %get3A_9, %get3A_10] : memref<16x96x1024xf32, #tpu.memory_space<vmem>>, vector<1x96x1024xf32>
    %get3A_12 = vector.shape_cast %get3A_11 : vector<1x96x1024xf32> to vector<96x1024xf32>
    %slice3A = vector.extract_strided_slice %get3A_12 {offsets = [0, 0], sizes = [1, 1], strides = [1, 1]} : vector<96x1024xf32> to vector<1x1xf32>
    %squeeze3A = vector.extract %slice3A[0, 0] : f32 from vector<1x1xf32>
    %broadcast_in_dim3A_13 = vector.broadcast %squeeze3A : f32 to vector<768x128xf32>
    %slice3A_14 = vector.extract_strided_slice %reshape3A {offsets = [0, 0], sizes = [1, 1], strides = [1, 1]} : vector<1024x96xf32> to vector<1x1xf32>
    %squeeze3A_15 = vector.extract %slice3A_14[0, 0] : f32 from vector<1x1xf32>
    %add3A_16 = vector.broadcast %squeeze3A_15 : f32 to vector<768x128xf32>
    %add3A_17 = arith.addf %broadcast_in_dim3A_13, %add3A_16 : vector<768x128xf32>
    %swap3A = arith.constant 0 : index
    %swap3A_18 = arith.constant 0 : index
    %swap3A_19 = arith.constant 0 : index
    %swap3A_20 = vector.load %arg4[%swap3A, %swap3A_18, %swap3A_19] : memref<16x768x128xf32, #tpu.memory_space<vmem>>, vector<1x768x128xf32>
    %swap3A_21 = vector.shape_cast %swap3A_20 : vector<1x768x128xf32> to vector<768x128xf32>
    %swap3A_22 = vector.shape_cast %add3A_17 : vector<768x128xf32> to vector<1x768x128xf32>
    tpu.vector_store %arg4[%swap3A, %swap3A_18, %swap3A_19], %swap3A_22 {strides = array<i32>} : memref<16x768x128xf32, #tpu.memory_space<vmem>>, vector<1x768x128xf32>,
    %get3A_23 = arith.constant 1 : index
    %get3A_24 = arith.constant 0 : index
    %get3A_25 = arith.constant 0 : index
    %get3A_26 = vector.load %arg1[%get3A_23, %get3A_24, %get3A_25] : memref<16x96x1024xf32, #tpu.memory_space<vmem>>, vector<1x96x1024xf32>
    %get3A_27 = vector.shape_cast %get3A_26 : vector<1x96x1024xf32> to vector<96x1024xf32>
    %slice3A_28 = vector.extract_strided_slice %get3A_27 {offsets = [0, 0], sizes = [1, 1], strides = [1, 1]} : vector<96x1024xf32> to vector<1x1xf32>
    %squeeze3A_29 = vector.extract %slice3A_28[0, 0] : f32 from vector<1x1xf32>
    %broadcast_in_dim3A_30 = vector.broadcast %squeeze3A_29 : f32 to vector<768x128xf32>
    %slice3A_31 = vector.extract_strided_slice %reshape3A {offsets = [0, 0], sizes = [1, 1], strides = [1, 1]} : vector<1024x96xf32> to vector<1x1xf32>
    %squeeze3A_32 = vector.extract %slice3A_31[0, 0] : f32 from vector<1x1xf32>
    %add3A_33 = vector.broadcast %squeeze3A_32 : f32 to vector<768x128xf32>
    %add3A_34 = arith.addf %broadcast_in_dim3A_30, %add3A_33 : vector<768x128xf32>
    %swap3A_35 = arith.constant 1 : index
    %swap3A_36 = arith.constant 0 : index
    %swap3A_37 = arith.constant 0 : index
    %swap3A_38 = vector.load %arg4[%swap3A_35, %swap3A_36, %swap3A_37] : memref<16x768x128xf32, #tpu.memory_space<vmem>>, vector<1x768x128xf32>
    %swap3A_39 = vector.shape_cast %swap3A_38 : vector<1x768x128xf32> to vector<768x128xf32>
    %swap3A_40 = vector.shape_cast %add3A_34 : vector<768x128xf32> to vector<1x768x128xf32>
    tpu.vector_store %arg4[%swap3A_35, %swap3A_36, %swap3A_37], %swap3A_40 {strides = array<i32>} : memref<16x768x128xf32, #tpu.memory_space<vmem>>, vector<1x768x128xf32>,
    %get3A_41 = arith.constant 2 : index
    %get3A_42 = arith.constant 0 : index
    %get3A_43 = arith.constant 0 : index
    %get3A_44 = vector.load %arg1[%get3A_41, %get3A_42, %get3A_43] : memref<16x96x1024xf32, #tpu.memory_space<vmem>>, vector<1x96x1024xf32>
    %get3A_45 = vector.shape_cast %get3A_44 : vector<1x96x1024xf32> to vector<96x1024xf32>
    %slice3A_46 = vector.extract_strided_slice %get3A_45 {offsets = [0, 0], sizes = [1, 1], strides = [1, 1]} : vector<96x1024xf32> to vector<1x1xf32>
    %squeeze3A_47 = vector.extract %slice3A_46[0, 0] : f32 from vector<1x1xf32>
    %broadcast_in_dim3A_48 = vector.broadcast %squeeze3A_47 : f32 to vector<768x128xf32>
    %slice3A_49 = vector.extract_strided_slice %reshape3A {offsets = [0, 0], sizes = [1, 1], strides = [1, 1]} : vector<1024x96xf32> to vector<1x1xf32>
    %squeeze3A_50 = vector.extract %slice3A_49[0, 0] : f32 from vector<1x1xf32>
    %add3A_51 = vector.broadcast %squeeze3A_50 : f32 to vector<768x128xf32>
    %add3A_52 = arith.addf %broadcast_in_dim3A_48, %add3A_51 : vector<768x128xf32>
    %swap3A_53 = arith.constant 2 : index
    %swap3A_54 = arith.constant 0 : index
    %swap3A_55 = arith.constant 0 : index
    %swap3A_56 = vector.load %arg4[%swap3A_53, %swap3A_54, %swap3A_55] : memref<16x768x128xf32, #tpu.memory_space<vmem>>, vector<1x768x128xf32>
    %swap3A_57 = vector.shape_cast %swap3A_56 : vector<1x768x128xf32> to vector<768x128xf32>
    %swap3A_58 = vector.shape_cast %add3A_52 : vector<768x128xf32> to vector<1x768x128xf32>
    tpu.vector_store %arg4[%swap3A_53, %swap3A_54, %swap3A_55], %swap3A_58 {strides = array<i32>} : memref<16x768x128xf32, #tpu.memory_space<vmem>>, vector<1x768x128xf32>,
    %get3A_59 = arith.constant 3 : index
    %get3A_60 = arith.constant 0 : index
    %get3A_61 = arith.constant 0 : index
    %get3A_62 = vector.load %arg1[%get3A_59, %get3A_60, %get3A_61] : memref<16x96x1024xf32, #tpu.memory_space<vmem>>, vector<1x96x1024xf32>
    %get3A_63 = vector.shape_cast %get3A_62 : vector<1x96x1024xf32> to vector<96x1024xf32>
    %slice3A_64 = vector.extract_strided_slice %get3A_63 {offsets = [0, 0], sizes = [1, 1], strides = [1, 1]} : vector<96x1024xf32> to vector<1x1xf32>
    %squeeze3A_65 = vector.extract %slice3A_64[0, 0] : f32 from vector<1x1xf32>
    %broadcast_in_dim3A_66 = vector.broadcast %squeeze3A_65 : f32 to vector<768x128xf32>
    %slice3A_67 = vector.extract_strided_slice %reshape3A {offsets = [0, 0], sizes = [1, 1], strides = [1, 1]} : vector<1024x96xf32> to vector<1x1xf32>
    %squeeze3A_68 = vector.extract %slice3A_67[0, 0] : f32 from vector<1x1xf32>
    %add3A_69 = vector.broadcast %squeeze3A_68 : f32 to vector<768x128xf32>
    %add3A_70 = arith.addf %broadcast_in_dim3A_66, %add3A_69 : vector<768x128xf32>
    %swap3A_71 = arith.constant 3 : index
    %swap3A_72 = arith.constant 0 : index
    %swap3A_73 = arith.constant 0 : index
    %swap3A_74 = vector.load %arg4[%swap3A_71, %swap3A_72, %swap3A_73] : memref<16x768x128xf32, #tpu.memory_space<vmem>>, vector<1x768x128xf32>
    %swap3A_75 = vector.shape_cast %swap3A_74 : vector<1x768x128xf32> to vector<768x128xf32>
    %swap3A_76 = vector.shape_cast %add3A_70 : vector<768x128xf32> to vector<1x768x128xf32>
    tpu.vector_store %arg4[%swap3A_71, %swap3A_72, %swap3A_73], %swap3A_76 {strides = array<i32>} : memref<16x768x128xf32, #tpu.memory_space<vmem>>, vector<1x768x128xf32>,
    %get3A_77 = arith.constant 4 : index
    %get3A_78 = arith.constant 0 : index
    %get3A_79 = arith.constant 0 : index
    %get3A_80 = vector.load %arg1[%get3A_77, %get3A_78, %get3A_79] : memref<16x96x1024xf32, #tpu.memory_space<vmem>>, vector<1x96x1024xf32>
    %get3A_81 = vector.shape_cast %get3A_80 : vector<1x96x1024xf32> to vector<96x1024xf32>
    %slice3A_82 = vector.extract_strided_slice %get3A_81 {offsets = [0, 0], sizes = [1, 1], strides = [1, 1]} : vector<96x1024xf32> to vector<1x1xf32>
    %squeeze3A_83 = vector.extract %slice3A_82[0, 0] : f32 from vector<1x1xf32>
    %broadcast_in_dim3A_84 = vector.broadcast %squeeze3A_83 : f32 to vector<768x128xf32>
    %slice3A_85 = vector.extract_strided_slice %reshape3A {offsets = [0, 0], sizes = [1, 1], strides = [1, 1]} : vector<1024x96xf32> to vector<1x1xf32>
    %squeeze3A_86 = vector.extract %slice3A_85[0, 0] : f32 from vector<1x1xf32>
    %add3A_87 = vector.broadcast %squeeze3A_86 : f32 to vector<768x128xf32>
    %add3A_88 = arith.addf %broadcast_in_dim3A_84, %add3A_87 : vector<768x128xf32>
    %swap3A_89 = arith.constant 4 : index
    %swap3A_90 = arith.constant 0 : index
    %swap3A_91 = arith.constant 0 : index
    %swap3A_92 = vector.load %arg4[%swap3A_89, %swap3A_90, %swap3A_91] : memref<16x768x128xf32, #tpu.memory_space<vmem>>, vector<1x768x128xf32>
    %swap3A_93 = vector.shape_cast %swap3A_92 : vector<1x768x128xf32> to vector<768x128xf32>
    %swap3A_94 = vector.shape_cast %add3A_88 : vector<768x128xf32> to vector<1x768x128xf32>
    tpu.vector_store %arg4[%swap3A_89, %swap3A_90, %swap3A_91], %swap3A_94 {strides = array<i32>} : memref<16x768x128xf32, #tpu.memory_space<vmem>>, vector<1x768x128xf32>,
    %get3A_95 = arith.constant 5 : index
    %get3A_96 = arith.constant 0 : index
    %get3A_97 = arith.constant 0 : index
    %get3A_98 = vector.load %arg1[%get3A_95, %get3A_96, %get3A_97] : memref<16x96x1024xf32, #tpu.memory_space<vmem>>, vector<1x96x1024xf32>
    %get3A_99 = vector.shape_cast %get3A_98 : vector<1x96x1024xf32> to vector<96x1024xf32>
    %slice3A_100 = vector.extract_strided_slice %get3A_99 {offsets = [0, 0], sizes = [1, 1], strides = [1, 1]} : vector<96x1024xf32> to vector<1x1xf32>
    %squeeze3A_101 = vector.extract %slice3A_100[0, 0] : f32 from vector<1x1xf32>
    %broadcast_in_dim3A_102 = vector.broadcast %squeeze3A_101 : f32 to vector<768x128xf32>
    %slice3A_103 = vector.extract_strided_slice %reshape3A {offsets = [0, 0], sizes = [1, 1], strides = [1, 1]} : vector<1024x96xf32> to vector<1x1xf32>
    %squeeze3A_104 = vector.extract %slice3A_103[0, 0] : f32 from vector<1x1xf32>
    %add3A_105 = vector.broadcast %squeeze3A_104 : f32 to vector<768x128xf32>
    %add3A_106 = arith.addf %broadcast_in_dim3A_102, %add3A_105 : vector<768x128xf32>
    %swap3A_107 = arith.constant 5 : index
    %swap3A_108 = arith.constant 0 : index
    %swap3A_109 = arith.constant 0 : index
    %swap3A_110 = vector.load %arg4[%swap3A_107, %swap3A_108, %swap3A_109] : memref<16x768x128xf32, #tpu.memory_space<vmem>>, vector<1x768x128xf32>
    %swap3A_111 = vector.shape_cast %swap3A_110 : vector<1x768x128xf32> to vector<768x128xf32>
    %swap3A_112 = vector.shape_cast %add3A_106 : vector<768x128xf32> to vector<1x768x128xf32>
    tpu.vector_store %arg4[%swap3A_107, %swap3A_108, %swap3A_109], %swap3A_112 {strides = array<i32>} : memref<16x768x128xf32, #tpu.memory_space<vmem>>, vector<1x768x128xf32>,
    %get3A_113 = arith.constant 6 : index
    %get3A_114 = arith.constant 0 : index
    %get3A_115 = arith.constant 0 : index
    %get3A_116 = vector.load %arg1[%get3A_113, %get3A_114, %get3A_115] : memref<16x96x1024xf32, #tpu.memory_space<vmem>>, vector<1x96x1024xf32>
    %get3A_117 = vector.shape_cast %get3A_116 : vector<1x96x1024xf32> to vector<96x1024xf32>
    %slice3A_118 = vector.extract_strided_slice %get3A_117 {offsets = [0, 0], sizes = [1, 1], strides = [1, 1]} : vector<96x1024xf32> to vector<1x1xf32>
    %squeeze3A_119 = vector.extract %slice3A_118[0, 0] : f32 from vector<1x1xf32>
    %broadcast_in_dim3A_120 = vector.broadcast %squeeze3A_119 : f32 to vector<768x128xf32>
    %slice3A_121 = vector.extract_strided_slice %reshape3A {offsets = [0, 0], sizes = [1, 1], strides = [1, 1]} : vector<1024x96xf32> to vector<1x1xf32>
    %squeeze3A_122 = vector.extract %slice3A_121[0, 0] : f32 from vector<1x1xf32>
    %add3A_123 = vector.broadcast %squeeze3A_122 : f32 to vector<768x128xf32>
    %add3A_124 = arith.addf %broadcast_in_dim3A_120, %add3A_123 : vector<768x128xf32>
    %swap3A_125 = arith.constant 6 : index
    %swap3A_126 = arith.constant 0 : index
    %swap3A_127 = arith.constant 0 : index
    %swap3A_128 = vector.load %arg4[%swap3A_125, %swap3A_126, %swap3A_127] : memref<16x768x128xf32, #tpu.memory_space<vmem>>, vector<1x768x128xf32>
    %swap3A_129 = vector.shape_cast %swap3A_128 : vector<1x768x128xf32> to vector<768x128xf32>
    %swap3A_130 = vector.shape_cast %add3A_124 : vector<768x128xf32> to vector<1x768x128xf32>
    tpu.vector_store %arg4[%swap3A_125, %swap3A_126, %swap3A_127], %swap3A_130 {strides = array<i32>} : memref<16x768x128xf32, #tpu.memory_space<vmem>>, vector<1x768x128xf32>,
    %get3A_131 = arith.constant 7 : index
    %get3A_132 = arith.constant 0 : index
    %get3A_133 = arith.constant 0 : index
    %get3A_134 = vector.load %arg1[%get3A_131, %get3A_132, %get3A_133] : memref<16x96x1024xf32, #tpu.memory_space<vmem>>, vector<1x96x1024xf32>
    %get3A_135 = vector.shape_cast %get3A_134 : vector<1x96x1024xf32> to vector<96x1024xf32>
    %slice3A_136 = vector.extract_strided_slice %get3A_135 {offsets = [0, 0], sizes = [1, 1], strides = [1, 1]} : vector<96x1024xf32> to vector<1x1xf32>
    %squeeze3A_137 = vector.extract %slice3A_136[0, 0] : f32 from vector<1x1xf32>
    %broadcast_in_dim3A_138 = vector.broadcast %squeeze3A_137 : f32 to vector<768x128xf32>
    %slice3A_139 = vector.extract_strided_slice %reshape3A {offsets = [0, 0], sizes = [1, 1], strides = [1, 1]} : vector<1024x96xf32> to vector<1x1xf32>
    %squeeze3A_140 = vector.extract %slice3A_139[0, 0] : f32 from vector<1x1xf32>
    %add3A_141 = vector.broadcast %squeeze3A_140 : f32 to vector<768x128xf32>
    %add3A_142 = arith.addf %broadcast_in_dim3A_138, %add3A_141 : vector<768x128xf32>
    %swap3A_143 = arith.constant 7 : index
    %swap3A_144 = arith.constant 0 : index
    %swap3A_145 = arith.constant 0 : index
    %swap3A_146 = vector.load %arg4[%swap3A_143, %swap3A_144, %swap3A_145] : memref<16x768x128xf32, #tpu.memory_space<vmem>>, vector<1x768x128xf32>
    %swap3A_147 = vector.shape_cast %swap3A_146 : vector<1x768x128xf32> to vector<768x128xf32>
    %swap3A_148 = vector.shape_cast %add3A_142 : vector<768x128xf32> to vector<1x768x128xf32>
    tpu.vector_store %arg4[%swap3A_143, %swap3A_144, %swap3A_145], %swap3A_148 {strides = array<i32>} : memref<16x768x128xf32, #tpu.memory_space<vmem>>, vector<1x768x128xf32>,
    %get3A_149 = arith.constant 8 : index
    %get3A_150 = arith.constant 0 : index
    %get3A_151 = arith.constant 0 : index
    %get3A_152 = vector.load %arg1[%get3A_149, %get3A_150, %get3A_151] : memref<16x96x1024xf32, #tpu.memory_space<vmem>>, vector<1x96x1024xf32>
    %get3A_153 = vector.shape_cast %get3A_152 : vector<1x96x1024xf32> to vector<96x1024xf32>
    %slice3A_154 = vector.extract_strided_slice %get3A_153 {offsets = [0, 0], sizes = [1, 1], strides = [1, 1]} : vector<96x1024xf32> to vector<1x1xf32>
    %squeeze3A_155 = vector.extract %slice3A_154[0, 0] : f32 from vector<1x1xf32>
    %broadcast_in_dim3A_156 = vector.broadcast %squeeze3A_155 : f32 to vector<768x128xf32>
    %slice3A_157 = vector.extract_strided_slice %reshape3A {offsets = [0, 0], sizes = [1, 1], strides = [1, 1]} : vector<1024x96xf32> to vector<1x1xf32>
    %squeeze3A_158 = vector.extract %slice3A_157[0, 0] : f32 from vector<1x1xf32>
    %add3A_159 = vector.broadcast %squeeze3A_158 : f32 to vector<768x128xf32>
    %add3A_160 = arith.addf %broadcast_in_dim3A_156, %add3A_159 : vector<768x128xf32>
    %swap3A_161 = arith.constant 8 : index
    %swap3A_162 = arith.constant 0 : index
    %swap3A_163 = arith.constant 0 : index
    %swap3A_164 = vector.load %arg4[%swap3A_161, %swap3A_162, %swap3A_163] : memref<16x768x128xf32, #tpu.memory_space<vmem>>, vector<1x768x128xf32>
    %swap3A_165 = vector.shape_cast %swap3A_164 : vector<1x768x128xf32> to vector<768x128xf32>
    %swap3A_166 = vector.shape_cast %add3A_160 : vector<768x128xf32> to vector<1x768x128xf32>
    tpu.vector_store %arg4[%swap3A_161, %swap3A_162, %swap3A_163], %swap3A_166 {strides = array<i32>} : memref<16x768x128xf32, #tpu.memory_space<vmem>>, vector<1x768x128xf32>,
    %get3A_167 = arith.constant 9 : index
    %get3A_168 = arith.constant 0 : index
    %get3A_169 = arith.constant 0 : index
    %get3A_170 = vector.load %arg1[%get3A_167, %get3A_168, %get3A_169] : memref<16x96x1024xf32, #tpu.memory_space<vmem>>, vector<1x96x1024xf32>
    %get3A_171 = vector.shape_cast %get3A_170 : vector<1x96x1024xf32> to vector<96x1024xf32>
    %slice3A_172 = vector.extract_strided_slice %get3A_171 {offsets = [0, 0], sizes = [1, 1], strides = [1, 1]} : vector<96x1024xf32> to vector<1x1xf32>
    %squeeze3A_173 = vector.extract %slice3A_172[0, 0] : f32 from vector<1x1xf32>
    %broadcast_in_dim3A_174 = vector.broadcast %squeeze3A_173 : f32 to vector<768x128xf32>
    %slice3A_175 = vector.extract_strided_slice %reshape3A {offsets = [0, 0], sizes = [1, 1], strides = [1, 1]} : vector<1024x96xf32> to vector<1x1xf32>
    %squeeze3A_176 = vector.extract %slice3A_175[0, 0] : f32 from vector<1x1xf32>
    %add3A_177 = vector.broadcast %squeeze3A_176 : f32 to vector<768x128xf32>
    %add3A_178 = arith.addf %broadcast_in_dim3A_174, %add3A_177 : vector<768x128xf32>
    %swap3A_179 = arith.constant 9 : index
    %swap3A_180 = arith.constant 0 : index
    %swap3A_181 = arith.constant 0 : index
    %swap3A_182 = vector.load %arg4[%swap3A_179, %swap3A_180, %swap3A_181] : memref<16x768x128xf32, #tpu.memory_space<vmem>>, vector<1x768x128xf32>
    %swap3A_183 = vector.shape_cast %swap3A_182 : vector<1x768x128xf32> to vector<768x128xf32>
    %swap3A_184 = vector.shape_cast %add3A_178 : vector<768x128xf32> to vector<1x768x128xf32>
    tpu.vector_store %arg4[%swap3A_179, %swap3A_180, %swap3A_181], %swap3A_184 {strides = array<i32>} : memref<16x768x128xf32, #tpu.memory_space<vmem>>, vector<1x768x128xf32>,
    %get3A_185 = arith.constant 10 : index
    %get3A_186 = arith.constant 0 : index
    %get3A_187 = arith.constant 0 : index
    %get3A_188 = vector.load %arg1[%get3A_185, %get3A_186, %get3A_187] : memref<16x96x1024xf32, #tpu.memory_space<vmem>>, vector<1x96x1024xf32>
    %get3A_189 = vector.shape_cast %get3A_188 : vector<1x96x1024xf32> to vector<96x1024xf32>
    %slice3A_190 = vector.extract_strided_slice %get3A_189 {offsets = [0, 0], sizes = [1, 1], strides = [1, 1]} : vector<96x1024xf32> to vector<1x1xf32>
    %squeeze3A_191 = vector.extract %slice3A_190[0, 0] : f32 from vector<1x1xf32>
    %broadcast_in_dim3A_192 = vector.broadcast %squeeze3A_191 : f32 to vector<768x128xf32>
    %slice3A_193 = vector.extract_strided_slice %reshape3A {offsets = [0, 0], sizes = [1, 1], strides = [1, 1]} : vector<1024x96xf32> to vector<1x1xf32>
    %squeeze3A_194 = vector.extract %slice3A_193[0, 0] : f32 from vector<1x1xf32>
    %add3A_195 = vector.broadcast %squeeze3A_194 : f32 to vector<768x128xf32>
    %add3A_196 = arith.addf %broadcast_in_dim3A_192, %add3A_195 : vector<768x128xf32>
    %swap3A_197 = arith.constant 10 : index
    %swap3A_198 = arith.constant 0 : index
    %swap3A_199 = arith.constant 0 : index
    %swap3A_200 = vector.load %arg4[%swap3A_197, %swap3A_198, %swap3A_199] : memref<16x768x128xf32, #tpu.memory_space<vmem>>, vector<1x768x128xf32>
    %swap3A_201 = vector.shape_cast %swap3A_200 : vector<1x768x128xf32> to vector<768x128xf32>
    %swap3A_202 = vector.shape_cast %add3A_196 : vector<768x128xf32> to vector<1x768x128xf32>
    tpu.vector_store %arg4[%swap3A_197, %swap3A_198, %swap3A_199], %swap3A_202 {strides = array<i32>} : memref<16x768x128xf32, #tpu.memory_space<vmem>>, vector<1x768x128xf32>,
    %get3A_203 = arith.constant 11 : index
    %get3A_204 = arith.constant 0 : index
    %get3A_205 = arith.constant 0 : index
    %get3A_206 = vector.load %arg1[%get3A_203, %get3A_204, %get3A_205] : memref<16x96x1024xf32, #tpu.memory_space<vmem>>, vector<1x96x1024xf32>
    %get3A_207 = vector.shape_cast %get3A_206 : vector<1x96x1024xf32> to vector<96x1024xf32>
    %slice3A_208 = vector.extract_strided_slice %get3A_207 {offsets = [0, 0], sizes = [1, 1], strides = [1, 1]} : vector<96x1024xf32> to vector<1x1xf32>
    %squeeze3A_209 = vector.extract %slice3A_208[0, 0] : f32 from vector<1x1xf32>
    %broadcast_in_dim3A_210 = vector.broadcast %squeeze3A_209 : f32 to vector<768x128xf32>
    %slice3A_211 = vector.extract_strided_slice %reshape3A {offsets = [0, 0], sizes = [1, 1], strides = [1, 1]} : vector<1024x96xf32> to vector<1x1xf32>
    %squeeze3A_212 = vector.extract %slice3A_211[0, 0] : f32 from vector<1x1xf32>
    %add3A_213 = vector.broadcast %squeeze3A_212 : f32 to vector<768x128xf32>
    %add3A_214 = arith.addf %broadcast_in_dim3A_210, %add3A_213 : vector<768x128xf32>
    %swap3A_215 = arith.constant 11 : index
    %swap3A_216 = arith.constant 0 : index
    %swap3A_217 = arith.constant 0 : index
    %swap3A_218 = vector.load %arg4[%swap3A_215, %swap3A_216, %swap3A_217] : memref<16x768x128xf32, #tpu.memory_space<vmem>>, vector<1x768x128xf32>
    %swap3A_219 = vector.shape_cast %swap3A_218 : vector<1x768x128xf32> to vector<768x128xf32>
    %swap3A_220 = vector.shape_cast %add3A_214 : vector<768x128xf32> to vector<1x768x128xf32>
    tpu.vector_store %arg4[%swap3A_215, %swap3A_216, %swap3A_217], %swap3A_220 {strides = array<i32>} : memref<16x768x128xf32, #tpu.memory_space<vmem>>, vector<1x768x128xf32>,
    %get3A_221 = arith.constant 12 : index
    %get3A_222 = arith.constant 0 : index
    %get3A_223 = arith.constant 0 : index
    %get3A_224 = vector.load %arg1[%get3A_221, %get3A_222, %get3A_223] : memref<16x96x1024xf32, #tpu.memory_space<vmem>>, vector<1x96x1024xf32>
    %get3A_225 = vector.shape_cast %get3A_224 : vector<1x96x1024xf32> to vector<96x1024xf32>
    %slice3A_226 = vector.extract_strided_slice %get3A_225 {offsets = [0, 0], sizes = [1, 1], strides = [1, 1]} : vector<96x1024xf32> to vector<1x1xf32>
    %squeeze3A_227 = vector.extract %slice3A_226[0, 0] : f32 from vector<1x1xf32>
    %broadcast_in_dim3A_228 = vector.broadcast %squeeze3A_227 : f32 to vector<768x128xf32>
    %slice3A_229 = vector.extract_strided_slice %reshape3A {offsets = [0, 0], sizes = [1, 1], strides = [1, 1]} : vector<1024x96xf32> to vector<1x1xf32>
    %squeeze3A_230 = vector.extract %slice3A_229[0, 0] : f32 from vector<1x1xf32>
    %add3A_231 = vector.broadcast %squeeze3A_230 : f32 to vector<768x128xf32>
    %add3A_232 = arith.addf %broadcast_in_dim3A_228, %add3A_231 : vector<768x128xf32>
    %swap3A_233 = arith.constant 12 : index
    %swap3A_234 = arith.constant 0 : index
    %swap3A_235 = arith.constant 0 : index
    %swap3A_236 = vector.load %arg4[%swap3A_233, %swap3A_234, %swap3A_235] : memref<16x768x128xf32, #tpu.memory_space<vmem>>, vector<1x768x128xf32>
    %swap3A_237 = vector.shape_cast %swap3A_236 : vector<1x768x128xf32> to vector<768x128xf32>
    %swap3A_238 = vector.shape_cast %add3A_232 : vector<768x128xf32> to vector<1x768x128xf32>
    tpu.vector_store %arg4[%swap3A_233, %swap3A_234, %swap3A_235], %swap3A_238 {strides = array<i32>} : memref<16x768x128xf32, #tpu.memory_space<vmem>>, vector<1x768x128xf32>,
    %get3A_239 = arith.constant 13 : index
    %get3A_240 = arith.constant 0 : index
    %get3A_241 = arith.constant 0 : index
    %get3A_242 = vector.load %arg1[%get3A_239, %get3A_240, %get3A_241] : memref<16x96x1024xf32, #tpu.memory_space<vmem>>, vector<1x96x1024xf32>
    %get3A_243 = vector.shape_cast %get3A_242 : vector<1x96x1024xf32> to vector<96x1024xf32>
    %slice3A_244 = vector.extract_strided_slice %get3A_243 {offsets = [0, 0], sizes = [1, 1], strides = [1, 1]} : vector<96x1024xf32> to vector<1x1xf32>
    %squeeze3A_245 = vector.extract %slice3A_244[0, 0] : f32 from vector<1x1xf32>
    %broadcast_in_dim3A_246 = vector.broadcast %squeeze3A_245 : f32 to vector<768x128xf32>
    %slice3A_247 = vector.extract_strided_slice %reshape3A {offsets = [0, 0], sizes = [1, 1], strides = [1, 1]} : vector<1024x96xf32> to vector<1x1xf32>
    %squeeze3A_248 = vector.extract %slice3A_247[0, 0] : f32 from vector<1x1xf32>
    %add3A_249 = vector.broadcast %squeeze3A_248 : f32 to vector<768x128xf32>
    %add3A_250 = arith.addf %broadcast_in_dim3A_246, %add3A_249 : vector<768x128xf32>
    %swap3A_251 = arith.constant 13 : index
    %swap3A_252 = arith.constant 0 : index
    %swap3A_253 = arith.constant 0 : index
    %swap3A_254 = vector.load %arg4[%swap3A_251, %swap3A_252, %swap3A_253] : memref<16x768x128xf32, #tpu.memory_space<vmem>>, vector<1x768x128xf32>
    %swap3A_255 = vector.shape_cast %swap3A_254 : vector<1x768x128xf32> to vector<768x128xf32>
    %swap3A_256 = vector.shape_cast %add3A_250 : vector<768x128xf32> to vector<1x768x128xf32>
    tpu.vector_store %arg4[%swap3A_251, %swap3A_252, %swap3A_253], %swap3A_256 {strides = array<i32>} : memref<16x768x128xf32, #tpu.memory_space<vmem>>, vector<1x768x128xf32>,
    %get3A_257 = arith.constant 14 : index
    %get3A_258 = arith.constant 0 : index
    %get3A_259 = arith.constant 0 : index
    %get3A_260 = vector.load %arg1[%get3A_257, %get3A_258, %get3A_259] : memref<16x96x1024xf32, #tpu.memory_space<vmem>>, vector<1x96x1024xf32>
    %get3A_261 = vector.shape_cast %get3A_260 : vector<1x96x1024xf32> to vector<96x1024xf32>
    %slice3A_262 = vector.extract_strided_slice %get3A_261 {offsets = [0, 0], sizes = [1, 1], strides = [1, 1]} : vector<96x1024xf32> to vector<1x1xf32>
    %squeeze3A_263 = vector.extract %slice3A_262[0, 0] : f32 from vector<1x1xf32>
    %broadcast_in_dim3A_264 = vector.broadcast %squeeze3A_263 : f32 to vector<768x128xf32>
    %slice3A_265 = vector.extract_strided_slice %reshape3A {offsets = [0, 0], sizes = [1, 1], strides = [1, 1]} : vector<1024x96xf32> to vector<1x1xf32>
    %squeeze3A_266 = vector.extract %slice3A_265[0, 0] : f32 from vector<1x1xf32>
    %add3A_267 = vector.broadcast %squeeze3A_266 : f32 to vector<768x128xf32>
    %add3A_268 = arith.addf %broadcast_in_dim3A_264, %add3A_267 : vector<768x128xf32>
    %swap3A_269 = arith.constant 14 : index
    %swap3A_270 = arith.constant 0 : index
    %swap3A_271 = arith.constant 0 : index
    %swap3A_272 = vector.load %arg4[%swap3A_269, %swap3A_270, %swap3A_271] : memref<16x768x128xf32, #tpu.memory_space<vmem>>, vector<1x768x128xf32>
    %swap3A_273 = vector.shape_cast %swap3A_272 : vector<1x768x128xf32> to vector<768x128xf32>
    %swap3A_274 = vector.shape_cast %add3A_268 : vector<768x128xf32> to vector<1x768x128xf32>
    tpu.vector_store %arg4[%swap3A_269, %swap3A_270, %swap3A_271], %swap3A_274 {strides = array<i32>} : memref<16x768x128xf32, #tpu.memory_space<vmem>>, vector<1x768x128xf32>,
    %get3A_275 = arith.constant 15 : index
    %get3A_276 = arith.constant 0 : index
    %get3A_277 = arith.constant 0 : index
    %get3A_278 = vector.load %arg1[%get3A_275, %get3A_276, %get3A_277] : memref<16x96x1024xf32, #tpu.memory_space<vmem>>, vector<1x96x1024xf32>
    %get3A_279 = vector.shape_cast %get3A_278 : vector<1x96x1024xf32> to vector<96x1024xf32>
    %slice3A_280 = vector.extract_strided_slice %get3A_279 {offsets = [0, 0], sizes = [1, 1], strides = [1, 1]} : vector<96x1024xf32> to vector<1x1xf32>
    %squeeze3A_281 = vector.extract %slice3A_280[0, 0] : f32 from vector<1x1xf32>
    %broadcast_in_dim3A_282 = vector.broadcast %squeeze3A_281 : f32 to vector<768x128xf32>
    %slice3A_283 = vector.extract_strided_slice %reshape3A {offsets = [0, 0], sizes = [1, 1], strides = [1, 1]} : vector<1024x96xf32> to vector<1x1xf32>
    %squeeze3A_284 = vector.extract %slice3A_283[0, 0] : f32 from vector<1x1xf32>
    %add3A_285 = vector.broadcast %squeeze3A_284 : f32 to vector<768x128xf32>
    %add3A_286 = arith.addf %broadcast_in_dim3A_282, %add3A_285 : vector<768x128xf32>
    %swap3A_287 = arith.constant 15 : index
    %swap3A_288 = arith.constant 0 : index
    %swap3A_289 = arith.constant 0 : index
    %swap3A_290 = vector.load %arg4[%swap3A_287, %swap3A_288, %swap3A_289] : memref<16x768x128xf32, #tpu.memory_space<vmem>>, vector<1x768x128xf32>
    %swap3A_291 = vector.shape_cast %swap3A_290 : vector<1x768x128xf32> to vector<768x128xf32>
    %swap3A_292 = vector.shape_cast %add3A_286 : vector<768x128xf32> to vector<1x768x128xf32>
    tpu.vector_store %arg4[%swap3A_287, %swap3A_288, %swap3A_289], %swap3A_292 {strides = array<i32>} : memref<16x768x128xf32, #tpu.memory_space<vmem>>, vector<1x768x128xf32>,
    return
  }
  func.func @transform_0(%arg0: i32) -> (i32, i32, i32) {
    %c0_i32 = arith.constant 0 : i32
    %c0_i32_0 = arith.constant 0 : i32
    %c0_i32_1 = arith.constant 0 : i32
    return %arg0, %c0_i32, %c0_i32_0 : i32, i32, i32
  }
  func.func @transform_1(%arg0: i32) -> (i32, i32) {
    %c0_i32 = arith.constant 0 : i32
    %c0_i32_0 = arith.constant 0 : i32
    %c0_i32_1 = arith.constant 0 : i32
    return %c0_i32, %c0_i32_0 : i32, i32
  }
  func.func @transform_2(%arg0: i32) -> (i32, i32) {
    %c0_i32 = arith.constant 0 : i32
    %c0_i32_0 = arith.constant 0 : i32
    %c0_i32_1 = arith.constant 0 : i32
    return %c0_i32, %c0_i32_0 : i32, i32
  }
  func.func @transform_3(%arg0: i32) -> (i32, i32, i32) {
    %c0_i32 = arith.constant 0 : i32
    %c0_i32_0 = arith.constant 0 : i32
    %c0_i32_1 = arith.constant 0 : i32
    return %arg0, %c0_i32, %c0_i32_0 : i32, i32, i32
  }
}

</mosaic_0001>

<sc_bundles>
// kernel: sparse-core-data-format-call.cloned.1.call-start
scs
called_computation_lowered:
.L_overlay_start_0:
0x0: {  	s2 =	sld [smem:$0x3FD9]  }
0x1: {  	s3 =	sld [smem:$0x3FFE];
	_ =	sdelay $0x1  }
0x2: {  	s1 =	srdreg.scid  }
0x3: {  	s0 =	sand.u32 $0x1, s1  }
0x4: {  	s18 =	sshll.u32 s0, $0xA;
	s2 =	sadd.s32 s3, s2  }
0x5: {  	s2 =	sadd.s32 s2, s18  }
0x6: {  	[smem:$0x3FC5] =	sst s2  }
0x7: {  	_ = 	snop  }
0x8: {  	s2 =	sld [smem:$0x3FD0];
	(tm) =	ssettm $0x1  }
0x9: {  	s19 =	sld [smem:$0x3FFB];
	_ =	sdelay $0x3  }
0xa: {  	_ =	strace s19  }
0xb: {  	s3 =	sld [smem:$0x3FFC];
	_ =	sdelay $0x3  }
0xc: {  	_ =	strace s3  }
0xd: {  	s3 =	sld [smem:$0x3FFD];
	_ =	sdelay $0x3  }
0xe: {  	_ =	strace s3  }
0xf: {  	_ =	strace $0x8FFFFFFF  }
0x10: {  	s20 =	sld [smem:$0x3FDB];
	_ =	sdelay $0x1  }
0x11: {  	s4 =	simm.s32 $_scs_section_size  }
0x12: {  	s5 =	simm.s32 $_size__tile_overlayer_lowered;
	s6 =	simm.s32 $_tile_overlayer_lowered  }
0x13: {  	s23 =	simm.s32 $0x1BFF;
	s22 =	sshll.u32 s6, $0x1;
	s3 =	sadd.s32 s4, s20  }
0x14: {  	s7 =	simm.s32 $0x0;
	s21 =	sshll.u32 s5, $0x1;
	s5 =	sadd.s32 s22, s3  }
0x15: {  	[timem:s7], [sflag:s23] =	dma.local [hbm:s5], s21  }
0x16: {  	_ =	swait.ge [sflag:s23], s21  }
0x17: {  	s4 =	ssub.s32 $0x0, s21;
	[sflag:s23] =	ssyncset.done $0x0  }
0x18: {  	[sflag:s23] =	ssyncadd.s32 s4;
	_ =	sdelay $0x1  }
0x19: {  	s24 =	simm.s32 $0x1B8B  }
0x1a: {  	_ =	swait.ge [sflag:s24], $0x1  }
0x1b: {  	[sflag:s24] =	ssyncset.done $0x0  }
0x1c: {  	s26 =	simm.s32 $0x1B8E;
	s25 =	sld [smem:$0x3FFE];
	[sflag:s24] =	ssyncadd.s32 $0xFFFFFFFF  }
0x1d: {  	s27 =	simm.s32 $execute0_lowered;
	[smem:$0x3FD2] =	sst s26  }
0x1e: {  	s5 =	sshll.u32 s27, $0x1;
	_ =	strace $0x80000046;
	[dreg:$0x1] =	wrdreg $0xFFFFFFFF  }
0x1f: {  	s28 =	simm.s32 $_size_execute0_lowered;
	s3 =	sadd.s32 s3, s5;
	[dreg:$0x0] =	wrdreg $0x0  }
0x20: {  	s5 =	sshll.u32 s28, $0x1;
	[dreg:$0x2] =	wrdreg s3  }
0x21: {  	[dreg:$0x3] =	wrdreg s5  }
0x22: {  	[dreg:$0x4] =	wrdreg $0xC0  }
0x23: {  	_ =	task [dreg:s7], $0x5FFFF  }
0x24: {  	[dreg:$0x1] =	wrdreg $0xFFFFFFFF  }
0x25: {  	[dreg:$0x0] =	wrdreg $0x60  }
0x26: {  	[dreg:$0x2] =	wrdreg s25  }
0x27: {  	[dreg:$0x3] =	wrdreg s2  }
0x28: {  	[dreg:$0x4] =	wrdreg $0x9  }
0x29: {  	_ =	task.clear_ibuf [dreg:s7], $0x5FFFF;
	_ =	strace $0x90000046  }
0x2a: {  	s29 =	simm.s32 $0x9;
	_ =	strace $0x80000048  }
0x2b: {  	_ =	swait.ge [sflag:s29], $0x1  }
0x2c: {  	[sflag:s29] =	ssyncadd.s32 $0xFFFFFFFF  }
0x2d: {  	_ =	strace $0x90000048  }
0x2e: {  	_ =	sfence  }
0x2f: {  	s30 =	sld [smem:$0x0];
	_ =	sdelay $0x2  }
0x30: {  	s31 =	sshll.u32 s1, $0xD;
	s1 =	sshrl.u32 s1, $0x2  }
0x31: {  	s3 =	sand.u32 $0x4000, s31;
	s1 =	sadd.s32 s1, s30  }
0x32: {  	s0 =	sor.u32 s3, s0;
	s1 =	sshll.u32 s1, $0x11  }
0x33: {  	s0 =	sor.u32 s1, s0  }
0x34: {  	s0 =	sadd.s32 $0x8F2B, s0  }
0x35: {  	[sflag:s0] =	ssyncadd.remote.s32 $0x1  }
0x36: {  	_ =	sfence.sel $0xFFFF  }
0x37: {  	[dreg:$0x0] =	wrdreg $0xFFFFFFFF;
	(pc) =	sbr.abs _section_cstart, $3  }
0x38: {  	[dreg:$0x1] =	wrdreg $0xFFFFFFFF  }
0x39: {  	_ =	task.clear_ibuf [dreg:s7], $0x2FFFF;
	_ =	strace $0x9FFFFFFF  }
0x3a: {  	(tm) =	ssettm $0x7FFFFFFF  }
0x3b: {  	_ =	shalt  }
tec
execute0_lowered:
.L_overlay_start_1:
0x0: {  	(tag) =	ssettag $0x1  }
0x1: {  	s0 =	stileid.u32;
	s6 =	rddreg [dreg:$0x0]  }
0x2: {  	s2 =	rddreg [dreg:$0x1];
	s5 =	srdreg.scid  }
0x3: {  	s31 =	simm.s32 $0x2;
	s14 =	simm.s32 $0x0;
	s1 =	sshll.u32 s0, $0x7  }
0x4: {  	s13 =	simm.s32 $0x0;
	s12 =	simm.s32 $0x0;
	s3 =	sand.u32 $0x380, s1  }
0x5: {  	s5 =	sshll.u32 s5, $0x4;
	s6 =	sadd.s32 $0x180800, s6;
	s4 =	ssub.s32 $0x400, s3  }
0x6: {  	s1 =	rddreg [dreg:$0x2];
	_ =	strace $0x80000047;
	s7 =	sand.u32 $0x380, s4  }
0x7: {  	s5 =	sand.u32 $0x10, s5;
	p0 =	sne.s32 s7, $0x0;
	s7 =	simm.s32 $0x1  }
.Ltmp0:
0x8: {  	s8 =	sshrl.u32 s4, $0xA;
	s7 =	simm.s32 @!p0 $0x0;
	(pc) =	sbr.rel .LBB1_1-.Ltmp0, $4  }
0x9: {  	s9 =	sor.u32 s0, s5;
	s4 =	simm.s32 $0x1;
	s30 =	sadd.s32 s7, s8  }
0xa: {  	s11 =	smov.u32 s3;
	[sflag:s4] =	ssyncpa.u1 $0x0;
	s5 =	smul.u32 $0x18, s30  }
0xb: {  	[sflag:s31] =	ssyncpa.u1 $0x0;
	p0 =	por $0x0, $0x0;
	s7 =	sshrl.u32 s9, $0x3  }
0xc: {  	s9 =	simm.s32 $0x18000;
	s10 =	smov.u32 s7;
	s8 =	sor.u32 $0x1, s5  }
.LBB1_4:
0xd: {  	v5 =	vld [tilespmem:s17+$0xFFFFFFD0];
	[tilespmem:s18+$0x2040 ss:$0x81] =	vst.msk $0xffff, v3  }
0xe: {  	v58 =	vld [tilespmem:s17+$0xFFFFFFE0];
	[tilespmem:s18+$0x2850 ss:$0x81] =	vst.msk $0xffff, v4;
	s20 =	sshll.u32 s14, $0xA;
	s21 =	sshll.u32 s13, $0x3  }
0xf: {  	s19 =	sshra.s32 s19, $0x2;
	v59 =	vld [tilespmem:s17+$0xFFFFFFF0];
	[tilespmem:s18+$0x3060 ss:$0x81] =	vst.msk $0xffff, v2;
	s20 =	sand.u32 $0xFFFFE000, s20;
	s21 =	sand.u32 $0xFFFFFC00, s21  }
0x10: {  	[tilespmem:s18+$0x0 ss:$0x81] =	vst.msk $0xffff, v0;
	v60 =	vld [tilespmem:s17+$0x0];
	s16 =	sadd.s32 s19, s16;
	s26 =	sadd.s32 s21, s20  }
0x11: {  	v61 =	vld [tilespmem:s17+$0x10];
	[tilespmem:s16+$0x3870 ss:$0x81] =	vst.msk $0xffff, v1;
	s18 =	sshrl.u32 s26, $0xA  }
0x12: {  	v62 =	vld [tilespmem:s17+$0x20];
	s27 =	smulhi.u32 $0x2AAAAAB, s18;
	[tilespmem:s16+$0x810 ss:$0x81] =	vst.msk $0xffff, v5  }
0x13: {  	v63 =	vld [tilespmem:s17+$0xFFFFFFC0];
	s28 =	sshll.u32 s14, $0x7;
	[tilespmem:s16+$0x1020 ss:$0x81] =	vst.msk $0xffff, v58  }
0x14: {  	s29 =	sand.u32 $0x78, s13;
	s14 =	sand.u32 $0x380, s28;
	[tilespmem:s16+$0x1830 ss:$0x81] =	vst.msk $0xffff, v59;
	s19 =	smul.u32 $0x60, s27  }
0x15: {  	s14 =	sor.u32 s29, s14;
	[tilespmem:s16+$0x2040 ss:$0x81] =	vst.msk $0xffff, v60  }
0x16: {  	s31 =	sand.u32 $0x7, s13;
	s14 =	sshrl.u32 s14, $0x3;
	[tilespmem:s16+$0x2850 ss:$0x81] =	vst.msk $0xffff, v61;
	s30 =	ssub.s32 s18, s19  }
0x17: {  	s13 =	sshll.u32 s31, $0x12;
	s14 =	sadd.s32 s2, s14;
	[tilespmem:s16+$0x3060 ss:$0x81] =	vst.msk $0xffff, v62;
	s17 =	sshll.u32 s30, $0x7  }
0x18: {  	s13 =	sor.u32 $0x80, s13;
	[tilespmem:s16+$0x0 ss:$0x81] =	vst.msk $0xffff, v63;
	s14 =	sadd.s32 s17, s14  }
0x19: {  	[hbm4b:s14+s13] =	stream.strided.scatter [tilespmem:s15], [sflag:$0x2], $0x4000, s9, s13, $0x20;
	[tilespmem:$0x10100] =	vst v63  }
.LBB1_5:
0x1a: {  	s15 =	sadd.s32 $0x4, s10  }
0x1b: {  	s13 =	sadd.s32 $0x400, s11;
	s17 =	smov.u32 s11;
	p2 =	sgt.s32 s15, $0x5F  }
0x1c: {  	s17 =	smov.u32 @p2 s13  }
0x1d: {  	s15 =	smov.u32 @p2 s7;
	p2 =	sgt.s32 s17, $0x3FF  }
0x1e: {  	s17 =	smov.u32 @p2 s3;
	p2 =	sne.s32 s12, s8  }
.Ltmp1:
0x1f: {  	p1 =	slt.u32 s12, $0x2;
	(pc) =	sbr.rel @!p2 .LBB1_6-.Ltmp1, $4  }
0x20: {  	s16 =	simm.s32 @!p1 $0x2  }
0x21: {  	s14 =	smov.u32 s10;
	p0 =	por !p0, !p0;
	_ =	swait.ge @!p1 [sflag:s16], $0x4000  }
0x22: {  	s13 =	smov.u32 s11;
	[sflag:s16] =	ssyncset.done @!p1 $0x0;
	s10 =	smov.u32 s15  }
0x23: {  	s12 =	sadd.s32 $0x1, s12;
	[sflag:s16] =	ssyncadd.s32 @!p1 $0xFFFFC000;
	s11 =	smov.u32 s17  }
.LBB1_1:
0x24: {  	p1 =	sge.u32 s12, s5  }
0x25: {  	s15 =	sand.u32 @!p1 $0x1FFFFFF, s10  }
0x26: {  	s16 =	smulhi.u32 @!p1 $0x2AAAAAB, s15;
	_ =	sdelay $0x1  }
0x27: {  	s16 =	smul.u32 @!p1 $0x60, s16  }
0x28: {  	s17 =	sxor.u32 @!p1 $0xFFFFFFFF, s12;
	s18 =	smul.u32 @!p1 $0x600, s11  }
0x29: {  	s31 =	sadd.s32 $0xFFFFFFFF, s12;
	s17 =	sshll.u32 @!p1 s17, $0xE;
	s15 =	ssub.s32 @!p1 s15, s16  }
0x2a: {  	s16 =	sand.u32 @!p1 $0x4000, s17;
	s17 =	sadd.s32 @!p1 s6, s18;
	s15 =	sshll.u32 @!p1 s15, $0x4  }
0x2b: {  	s18 =	simm.s32 @!p1 $0x3000;
	s15 =	sadd.s32 @!p1 s15, s17;
	s17 =	simm.s32 @!p1 $0x80  }
0x2c: {  	[tilespmem:s16], [sflag:$0x1] =	stream.strided.gather @!p1 [hbm4b:s15+s17], $0x4000, s18, s17, $0x38;
	[tilespmem:$0x10100] =	vst v63  }
0x2d: {  	p1 =	sge.u32 s31, s5  }
.Ltmp2:
0x2e: {  	_ = 	snop;
	(pc) =	sbr.rel @p1 .LBB1_5-.Ltmp2, $1  }
0x2f: {  	_ =	sdelay $0x3  }
0x30: {  	s15 =	simm.s32 $0x1  }
0x31: {  	_ =	swait.ge [sflag:s4], $0x4000;
	s15 =	simm.s32 @!p0 $0x0  }
0x32: {  	[sflag:s4] =	ssyncset.done $0x0;
	s16 =	sshll.u32 s15, $0xE  }
0x33: {  	[sflag:s4] =	ssyncadd.s32 $0xFFFFC000;
	s17 =	sor.u32 $0x40, s16  }
0x34: {  	s15 =	smul.u32 $0x10200, s15;
	v0 =	vld [tilespmem:s17+$0x30]  }
0x35: {  	v1 =	vld [tilespmem:s17+$0xFFFFFFD0]  }
0x36: {  	s15 =	sshrl.u32 s15, $0x2;
	v5 =	vld [tilespmem:s17+$0xFFFFFFE0]  }
0x37: {  	v6 =	vld [tilespmem:s17+$0xFFFFFFF0];
	s16 =	sor.u32 $0x8000, s15  }
0x38: {  	s31 =	sand.u32 $0x1, s12;
	v3 =	vld [tilespmem:s17+$0x0];
	s18 =	sadd.s32 $0x0, s16  }
0x39: {  	v4 =	vld [tilespmem:s17+$0x10];
	s15 =	smul.u32 $0x10200, s31;
	[tilespmem:s18+$0x3870 ss:$0x81] =	vst.msk $0xffff, v0  }
0x3a: {  	v2 =	vld [tilespmem:s17+$0x20];
	[tilespmem:s18+$0x810 ss:$0x81] =	vst.msk $0xffff, v1  }
0x3b: {  	s15 =	sshrl.u32 s15, $0x2;
	v0 =	vld [tilespmem:s17+$0xFFFFFFC0];
	[tilespmem:s18+$0x1020 ss:$0x81] =	vst.msk $0xffff, v5;
	s17 =	sadd.s32 $0x80, s17  }
0x3c: {  	s19 =	simm.s32 $0x4;
	s20 =	simm.s32 $0x8;
	s15 =	sor.u32 $0x8000, s15;
	[tilespmem:s18+$0x1830 ss:$0x81] =	vst.msk $0xffff, v6;
	v1 =	vld [tilespmem:s17+$0x30]  }
.LBB1_3:
0x3d: {  	p1 =	sne.s32 s20, $0x1FC;
	v5 =	vld [tilespmem:s17+$0xFFFFFFD0];
	[tilespmem:s18+$0x2040 ss:$0x81] =	vst.msk $0xffff, v3  }
0x3e: {  	v6 =	vld [tilespmem:s17+$0xFFFFFFE0];
	[tilespmem:s18+$0x2850 ss:$0x81] =	vst.msk $0xffff, v4  }
0x3f: {  	s21 =	sshra.s32 s19, $0x2;
	s19 =	smov.u32 s20;
	v7 =	vld [tilespmem:s17+$0xFFFFFFF0];
	[tilespmem:s18+$0x3060 ss:$0x81] =	vst.msk $0xffff, v2  }
.Ltmp3:
0x40: {  	v3 =	vld [tilespmem:s17+$0x0];
	[tilespmem:s18+$0x0 ss:$0x81] =	vst.msk $0xffff, v0;
	s18 =	sadd.s32 s21, s16;
	(pc) =	sbr.rel @p1 .LBB1_3-.Ltmp3, $4  }
0x41: {  	v4 =	vld [tilespmem:s17+$0x10];
	[tilespmem:s18+$0x3870 ss:$0x81] =	vst.msk $0xffff, v1  }
0x42: {  	[tilespmem:s18+$0x810 ss:$0x81] =	vst.msk $0xffff, v5;
	v2 =	vld [tilespmem:s17+$0x20]  }
0x43: {  	v0 =	vld [tilespmem:s17+$0xFFFFFFC0];
	[tilespmem:s18+$0x1020 ss:$0x81] =	vst.msk $0xffff, v6;
	s17 =	sadd.s32 $0x80, s17  }
0x44: {  	s20 =	sadd.s32 $0x4, s20;
	v1 =	vld [tilespmem:s17+$0x30];
	[tilespmem:s18+$0x1830 ss:$0x81] =	vst.msk $0xffff, v7  }
.Ltmp4:
0x45: {  	_ = 	snop;
	(pc) =	sbr.rel .LBB1_4-.Ltmp4, $1  }
0x46: {  	_ =	sdelay $0x3  }
.LBB1_6:
0x47: {  	_ =	sfence.sel $0x180000  }
0x48: {  	s2 =	simm.s32 $0x1;
	[bflag:$0x0] =	sbarrier.arrive $0xFFFF  }
0x49: {  	s31 =	simm.s32 $0x2;
	[sflag:s2] =	ssyncpa.u1 $0x1  }
0x4a: {  	[sflag:s31] =	ssyncpa.u1 $0x1  }
0x4b: {  	p0 =	sne.s32 s0, $0x0;
	_ =	strace $0x90000047  }
0x4c: {  	s0 =	sadd.s32 @!p0 $0x100000, s1;
	[bflag:$0x2] =	sbarrier.arrive $0xFFFF  }
0x4d: {  	[sflag:s0] =	ssyncadd.tile.s32 @!p0 $0x1;
	_ =	shalt  }
.Lfunc_end1:
_tile_overlayer_lowered:
.L_overlay_start_2:
0x4e: {  	(tag) =	ssettag $0x2  }
0x4f: {  	s0 =	rddreg [dreg:$0x0];
	s2 =	stileid.u32  }
0x50: {  	s1 =	rddreg [dreg:$0x1];
	p0 =	sne.s32 s2, $0x0  }
0x51: {  	s3 =	rddreg [dreg:$0x2];
	[bflag:$0x3] =	sbarrier.arrive $0xFFFF;
	s2 =	simm.s32 @!p0 $0x1C01  }
0x52: {  	[timem:s3], [sflag:s2] =	dma.local @!p0 [hbm:s0], s1  }
0x53: {  	s0 =	simm.s32 @!p0 $0x1  }
0x54: {  	_ =	swait.ge @!p0 [sflag:s0], s1  }
0x55: {  	s1 =	ssub.s32 @!p0 $0x0, s1;
	[sflag:s0] =	ssyncset.done @!p0 $0x0  }
0x56: {  	[sflag:s0] =	ssyncadd.s32 @!p0 s1  }
0x57: {  	[bflag:$0x3] =	sbarrier.arrive $0xFFFF  }
0x58: {  	_ =	shalt  }

</sc_bundles>
